<compile_context>
chip_gen: v7x
topology: tpu7x:2x2x1
jax: 0.10.2.dev20260603
libtpu: 0.0.44.dev20260713+nightly
codegen_flags: <defaults>
</compile_context>

<pallas_src>
import functools

import jax
import jax.numpy as jnp
from jax import lax
from jax.experimental import pallas as pl
from jax.experimental.pallas import tpu as pltpu
from jax.experimental.pallas import tpu_sc as plsc


NC = 2
NS = 16
K = 80


@functools.partial(jax.jit, static_argnums=(4, 5, 6))
def _sc_partial_agg(x, src3, dst3, zeros_nd, n, d, ch):
    rpt = (n // NS) // 8 * 8
    rpt_last = n - (NS - 1) * rpt
    mesh = plsc.VectorSubcoreMesh(core_axis_name="c", subcore_axis_name="s")

    @functools.partial(
        pl.kernel,
        out_type=jax.ShapeDtypeStruct((NC, n, d), jnp.float32),
        mesh=mesh,
        scratch_types=[
            pltpu.VMEM((ch, K), jnp.int32),
            pltpu.VMEM((ch, K), jnp.int32),
            pltpu.VMEM((K, d), jnp.float32),
            pltpu.VMEM_SHARED((n, d), jnp.float32),
            pltpu.SemaphoreType.DMA,
        ],
    )
    def agg_kernel(x_hbm, src_hbm, dst_hbm, z_hbm, out_hbm, src_v, dst_v,
                   rows_v, acc_sh, sem):
        c = lax.axis_index("c")
        s = lax.axis_index("s")
        wid = c * NS + s

        r0 = s * rpt

        @pl.when(s < NS - 1)
        def _():
            pltpu.sync_copy(z_hbm.at[pl.ds(r0, rpt)],
                            acc_sh.at[pl.ds(r0, rpt)])

        @pl.when(s == NS - 1)
        def _():
            pltpu.sync_copy(z_hbm.at[pl.ds((NS - 1) * rpt, rpt_last)],
                            acc_sh.at[pl.ds((NS - 1) * rpt, rpt_last)])

        pltpu.sync_copy(src_hbm.at[wid], src_v)
        pltpu.sync_copy(dst_hbm.at[wid], dst_v)
        plsc.subcore_barrier()

        def chunk_body(j, carry):
            pltpu.async_copy(x_hbm.at[src_v.at[j]], rows_v, sem).wait()
            pltpu.sync_copy(rows_v, acc_sh.at[dst_v.at[j]], add=True)
            return carry

        lax.fori_loop(0, ch, chunk_body, 0, unroll=False)
        plsc.subcore_barrier()

        @pl.when(s < NS - 1)
        def _():
            pltpu.sync_copy(acc_sh.at[pl.ds(r0, rpt)],
                            out_hbm.at[c, pl.ds(r0, rpt)])

        @pl.when(s == NS - 1)
        def _():
            pltpu.sync_copy(acc_sh.at[pl.ds((NS - 1) * rpt, rpt_last)],
                            out_hbm.at[c, pl.ds((NS - 1) * rpt, rpt_last)])

    return agg_kernel(x, src3, dst3, zeros_nd)


def _tree442(acc):
    a = acc[0:4] + acc[4:8]
    b = a[0:2] + a[2:4]
    return b[0:1] + b[1:2]


def _mlp_body(p0_ref, p1_ref, x_ref, w1_ref, b1_ref, g_ref, beta_ref,
              w2_ref, b2_ref, out_ref, m_ref, sq_ref):
    n = m_ref.shape[0]
    h = x_ref[...] + (p0_ref[...] + p1_ref[...])
    m_ref[...] = jnp.dot(h, w1_ref[...],
                         preferred_element_type=jnp.float32) + b1_ref[...]
    m = m_ref[...]
    s = jnp.sum(m, axis=0, keepdims=True)
    mean = s * jnp.float32(1.0 / n)
    dmu = m - mean
    sq_ref[...] = dmu * dmu

    def _accrange(lo, hi):
        def red(i, acc):
            return acc + sq_ref[pl.ds(i * 8, 8), :]
        return lax.fori_loop(lo, hi, red, jnp.zeros((8, 128), jnp.float32))

    half = (n // 8) // 2
    vs = _tree442(_accrange(0, half)) + _tree442(_accrange(half, n // 8))
    var = vs * jnp.float32(1.0 / n)
    denom = jnp.sqrt(var + jnp.float32(1e-5))
    r = jnp.maximum((m - mean) / denom * g_ref[...] + beta_ref[...],
                    jnp.float32(0))
    o = jnp.dot(r, w2_ref[...], preferred_element_type=jnp.float32)
    out_ref[...] = jnp.maximum(o + b2_ref[...], jnp.float32(0))


@jax.jit
def _tc_mlp(p0, p1, x, w1, b1, g, beta, w2, b2):
    n, d = x.shape
    return pl.pallas_call(
        _mlp_body,
        out_shape=jax.ShapeDtypeStruct((n, d), jnp.float32),
        scratch_shapes=[pltpu.VMEM((n, d), jnp.float32),
                        pltpu.VMEM((n, d), jnp.float32)],
        compiler_params=pltpu.CompilerParams(vmem_limit_bytes=134217728),
    )(p0, p1, x, w1, b1.reshape(1, -1), g.reshape(1, -1),
      beta.reshape(1, -1), w2, b2.reshape(1, -1))


def kernel(x, edge_index, params):
    n, d = x.shape
    e = edge_index.shape[1]
    nw = NC * NS
    assert e % (nw * K) == 0
    ch = e // (nw * K)

    perm = jnp.argsort(edge_index[1], stable=True)
    src3 = edge_index[0][perm].reshape(nw, ch, K)
    dst3 = edge_index[1][perm].reshape(nw, ch, K)
    zeros_nd = jnp.zeros((n, d), jnp.float32)

    h = x
    for p in params:
        parts = _sc_partial_agg(h, src3, dst3, zeros_nd, n, d, ch)
        w2 = p["W2"]
        b2 = p["b2"]
        dout = w2.shape[1]
        if dout < d:
            w2 = jnp.pad(w2, ((0, 0), (0, d - dout)))
            b2 = jnp.pad(b2, ((0, d - dout),))
        h = _tc_mlp(parts[0], parts[1], h, p["W1"], p["b1"], p["g"],
                    p["beta"], w2, b2)
    dout_last = params[-1]["W2"].shape[1]
    if dout_last < d:
        h = h[:, :dout_last]
    return h

# --- scband reference (transcript-rebuilt; emitter-appended) ---
"""Pipeline reference for scband-ginregressor-64347200028747 (READ-ONLY COPY).

The authoritative reference and input builder live on the scoring server;
editing this copy changes nothing except your own understanding.
"""

import jax, jax.numpy as jnp
import numpy as np

N = 10000
E = 320000
D = 128
H = 128


def _make_mlp(key, din, dh, dout):
    k1, k2 = jax.random.split(key)
    s1 = 1.0 / np.sqrt(din)
    s2 = 1.0 / np.sqrt(dh)
    return {
        'W1': jax.random.uniform(k1, (din, dh), minval=-s1, maxval=s1, dtype=jnp.float32),
        'b1': jnp.zeros((dh,), dtype=jnp.float32),
        'g': jnp.ones((dh,), dtype=jnp.float32),
        'beta': jnp.zeros((dh,), dtype=jnp.float32),
        'W2': jax.random.uniform(k2, (dh, dout), minval=-s2, maxval=s2, dtype=jnp.float32),
        'b2': jnp.zeros((dout,), dtype=jnp.float32),
    }


def setup_inputs(seed: int = 0) -> dict:
    key = jax.random.key(seed)
    kx, ke, k1, k2, k3, k4, k5 = jax.random.split(key, 7)
    x = jax.random.normal(kx, (N, D), dtype=jnp.float32)
    edge_index = jax.random.randint(ke, (2, E), 0, N, dtype=jnp.int32)
    params = [
        _make_mlp(k1, D, H, H),
        _make_mlp(k2, H, H, H),
        _make_mlp(k3, H, H, H),
        _make_mlp(k4, H, H, H),
        _make_mlp(k5, H, H, 1),
    ]
    return {'x': x, 'edge_index': edge_index, 'params': params}


def _gin_conv(x, edge_index, p):
    # GINConv with eps=0 (PyG default, train_eps=False): h_i = MLP((1+eps)*x_i + sum_{j->i} x_j)
    src = edge_index[0]
    dst = edge_index[1]
    msgs = jnp.take(x, src, axis=0)                      # gather (SparseCore)
    agg = jax.ops.segment_sum(msgs, dst, num_segments=x.shape[0])  # scatter-add
    h = x + agg
    # Sequential(Linear, BatchNorm1d(train mode: batch stats), ReLU, Linear, ReLU)
    h = h @ p['W1'] + p['b1']
    mean = jnp.mean(h, axis=0)
    var = jnp.var(h, axis=0)  # biased, matches torch BN normalization
    h = (h - mean) / jnp.sqrt(var + 1e-5) * p['g'] + p['beta']
    h = jax.nn.relu(h)
    h = h @ p['W2'] + p['b2']
    h = jax.nn.relu(h)
    return h


def reference(x, edge_index, params):
    h = x
    for p in params:
        h = _gin_conv(h, edge_index, p)
    return h

if __name__ == "__main__":
    import jax
    _d = setup_inputs()
    print(jax.jit(kernel)(*tuple(_d.values())))

</pallas_src>

<mosaic_0001>
#map = affine_map<(d0, d1) -> (0, 0)>
#map1 = affine_map<(d0, d1) -> (0, 0, 0)>
module attributes {stable_mosaic.version = 14 : i64} {
  func.func @agg_kernel(%arg0: i32, %arg1: i32, %arg2: memref<10000x128xf32, #tpu.memory_space<hbm>>, %arg3: memref<32x125x80xi32, #tpu.memory_space<hbm>>, %arg4: memref<32x125x80xi32, #tpu.memory_space<hbm>>, %arg5: memref<10000x128xf32, #tpu.memory_space<hbm>>, %arg6: memref<2x10000x128xf32, #tpu.memory_space<hbm>>, %arg7: memref<125x80xi32, #tpu.memory_space<vmem>>, %arg8: memref<125x80xi32, #tpu.memory_space<vmem>>, %arg9: memref<80x128xf32, #tpu.memory_space<vmem>>, %arg10: memref<10000x128xf32, #tpu.memory_space<vmem_shared>>, %arg11: memref<!tpu.dma_semaphore, #tpu.memory_space<semaphore_mem>>) attributes {dimension_semantics = [#tpu.dimension_semantics<core_parallel>, #tpu.dimension_semantics<subcore_parallel>], iteration_bounds = array<i64: 2, 16>, scalar_prefetch = 0 : i64, scratch_operands = 5 : i64, tpu.core_type = #tpu.core_type<sc_vector_subcore>, window_params = [{transform_indices = #map}, {transform_indices = #map1}, {transform_indices = #map1}, {transform_indices = #map}, {transform_indices = #map1}]} {
    %mul3A = arith.constant 16 : i32
    %mul3A_0 = arith.muli %arg0, %mul3A : i32
    %add3A = arith.addi %mul3A_0, %arg1 : i32
    %mul3A_1 = arith.constant 624 : i32
    %mul3A_2 = arith.muli %arg1, %mul3A_1 : i32
    %lt3A = arith.constant 15 : i32
    %lt3A_3 = arith.cmpi slt, %arg1, %lt3A : i32
    %convert_element_type3A = arith.extui %lt3A_3 : i1 to i32
    %cond3A = arith.constant 0 : i32
    %cond3A_4 = arith.cmpi ne, %convert_element_type3A, %cond3A : i32
    scf.if %cond3A_4 {
      "tpu.region"() ({
        %run_scoped3A = tpu.sem_alloc : memref<!tpu.dma_semaphore, #tpu.memory_space<semaphore_mem>>
        %dma_start3A = arith.constant 0 : i32
        %dma_start3A_25 = tpu.memref_slice %arg10[%mul3A_2, %dma_start3A] : memref<10000x128xf32, #tpu.memory_space<vmem_shared>> -> memref<624x128xf32, #tpu.memory_space<vmem_shared>>
        %dma_start3A_26 = arith.constant 0 : i32
        %dma_start3A_27 = tpu.memref_slice %arg5[%mul3A_2, %dma_start3A_26] : memref<10000x128xf32, #tpu.memory_space<hbm>> -> memref<624x128xf32, #tpu.memory_space<hbm>>
        tpu.enqueue_dma source(%dma_start3A_27 : memref<624x128xf32, #tpu.memory_space<hbm>>) target(%dma_start3A_25 : memref<624x128xf32, #tpu.memory_space<vmem_shared>>) target_semaphore(%run_scoped3A : memref<!tpu.dma_semaphore, #tpu.memory_space<semaphore_mem>>)
        %dma_wait3A = arith.constant 0 : i32
        %dma_wait3A_28 = tpu.memref_slice %arg10[%mul3A_2, %dma_wait3A] : memref<10000x128xf32, #tpu.memory_space<vmem_shared>> -> memref<624x128xf32, #tpu.memory_space<vmem_shared>>
        %dma_wait3A_29 = arith.constant 0 : i32
        %dma_wait3A_30 = tpu.memref_slice %arg5[%mul3A_2, %dma_wait3A_29] : memref<10000x128xf32, #tpu.memory_space<hbm>> -> memref<624x128xf32, #tpu.memory_space<hbm>>
        tpu.wait_dma2 semaphore(%run_scoped3A : memref<!tpu.dma_semaphore, #tpu.memory_space<semaphore_mem>>) src(%dma_wait3A_30 : memref<624x128xf32, #tpu.memory_space<hbm>>) dst(%dma_wait3A_28 : memref<624x128xf32, #tpu.memory_space<vmem_shared>>)
        tpu.yield
      }) : () -> ()
    } else {
    }
    %eq3A = arith.constant 15 : i32
    %eq3A_5 = arith.cmpi eq, %arg1, %eq3A : i32
    %convert_element_type3A_6 = arith.extui %eq3A_5 : i1 to i32
    %cond3A_7 = arith.constant 0 : i32
    %cond3A_8 = arith.cmpi ne, %convert_element_type3A_6, %cond3A_7 : i32
    scf.if %cond3A_8 {
      "tpu.region"() ({
        %run_scoped3A = tpu.sem_alloc : memref<!tpu.dma_semaphore, #tpu.memory_space<semaphore_mem>>
        %dma_start3A = arith.constant 9360 : i32
        %dma_start3A_25 = arith.constant 0 : i32
        %dma_start3A_26 = tpu.memref_slice %arg10[%dma_start3A, %dma_start3A_25] : memref<10000x128xf32, #tpu.memory_space<vmem_shared>> -> memref<640x128xf32, #tpu.memory_space<vmem_shared>>
        %dma_start3A_27 = arith.constant 9360 : i32
        %dma_start3A_28 = arith.constant 0 : i32
        %dma_start3A_29 = tpu.memref_slice %arg5[%dma_start3A_27, %dma_start3A_28] : memref<10000x128xf32, #tpu.memory_space<hbm>> -> memref<640x128xf32, #tpu.memory_space<hbm>>
        tpu.enqueue_dma source(%dma_start3A_29 : memref<640x128xf32, #tpu.memory_space<hbm>>) target(%dma_start3A_26 : memref<640x128xf32, #tpu.memory_space<vmem_shared>>) target_semaphore(%run_scoped3A : memref<!tpu.dma_semaphore, #tpu.memory_space<semaphore_mem>>)
        %dma_wait3A = arith.constant 9360 : i32
        %dma_wait3A_30 = arith.constant 0 : i32
        %dma_wait3A_31 = tpu.memref_slice %arg10[%dma_wait3A, %dma_wait3A_30] : memref<10000x128xf32, #tpu.memory_space<vmem_shared>> -> memref<640x128xf32, #tpu.memory_space<vmem_shared>>
        %dma_wait3A_32 = arith.constant 9360 : i32
        %dma_wait3A_33 = arith.constant 0 : i32
        %dma_wait3A_34 = tpu.memref_slice %arg5[%dma_wait3A_32, %dma_wait3A_33] : memref<10000x128xf32, #tpu.memory_space<hbm>> -> memref<640x128xf32, #tpu.memory_space<hbm>>
        tpu.wait_dma2 semaphore(%run_scoped3A : memref<!tpu.dma_semaphore, #tpu.memory_space<semaphore_mem>>) src(%dma_wait3A_34 : memref<640x128xf32, #tpu.memory_space<hbm>>) dst(%dma_wait3A_31 : memref<640x128xf32, #tpu.memory_space<vmem_shared>>)
        tpu.yield
      }) : () -> ()
    } else {
    }
    "tpu.region"() ({
      %run_scoped3A = tpu.sem_alloc : memref<!tpu.dma_semaphore, #tpu.memory_space<semaphore_mem>>
      %dma_start3A = arith.constant 0 : i32
      %dma_start3A_25 = arith.constant 0 : i32
      %dma_start3A_26 = tpu.memref_slice %arg3[%add3A, %dma_start3A, %dma_start3A_25] : memref<32x125x80xi32, #tpu.memory_space<hbm>> -> memref<1x125x80xi32, #tpu.memory_space<hbm>>
      %dma_start3A_27 = tpu.memref_squeeze %dma_start3A_26 : memref<1x125x80xi32, #tpu.memory_space<hbm>> -> memref<125x80xi32, #tpu.memory_space<hbm>>
      %dma_start3A_28 = arith.constant 0 : i32
      %dma_start3A_29 = arith.constant 0 : i32
      %dma_start3A_30 = tpu.memref_slice %arg3[%add3A, %dma_start3A_28, %dma_start3A_29] : memref<32x125x80xi32, #tpu.memory_space<hbm>> -> memref<1x125x80xi32, #tpu.memory_space<hbm>>
      %dma_start3A_31 = tpu.memref_squeeze %dma_start3A_30 : memref<1x125x80xi32, #tpu.memory_space<hbm>> -> memref<125x80xi32, #tpu.memory_space<hbm>>
      tpu.enqueue_dma source(%dma_start3A_31 : memref<125x80xi32, #tpu.memory_space<hbm>>) target(%arg7 : memref<125x80xi32, #tpu.memory_space<vmem>>) target_semaphore(%run_scoped3A : memref<!tpu.dma_semaphore, #tpu.memory_space<semaphore_mem>>)
      %dma_wait3A = arith.constant 0 : i32
      %dma_wait3A_32 = arith.constant 0 : i32
      %dma_wait3A_33 = tpu.memref_slice %arg3[%add3A, %dma_wait3A, %dma_wait3A_32] : memref<32x125x80xi32, #tpu.memory_space<hbm>> -> memref<1x125x80xi32, #tpu.memory_space<hbm>>
      %dma_wait3A_34 = tpu.memref_squeeze %dma_wait3A_33 : memref<1x125x80xi32, #tpu.memory_space<hbm>> -> memref<125x80xi32, #tpu.memory_space<hbm>>
      %dma_wait3A_35 = arith.constant 0 : i32
      %dma_wait3A_36 = arith.constant 0 : i32
      %dma_wait3A_37 = tpu.memref_slice %arg3[%add3A, %dma_wait3A_35, %dma_wait3A_36] : memref<32x125x80xi32, #tpu.memory_space<hbm>> -> memref<1x125x80xi32, #tpu.memory_space<hbm>>
      %dma_wait3A_38 = tpu.memref_squeeze %dma_wait3A_37 : memref<1x125x80xi32, #tpu.memory_space<hbm>> -> memref<125x80xi32, #tpu.memory_space<hbm>>
      tpu.wait_dma2 semaphore(%run_scoped3A : memref<!tpu.dma_semaphore, #tpu.memory_space<semaphore_mem>>) src(%dma_wait3A_38 : memref<125x80xi32, #tpu.memory_space<hbm>>) dst(%arg7 : memref<125x80xi32, #tpu.memory_space<vmem>>)
      tpu.yield
    }) : () -> ()
    "tpu.region"() ({
      %run_scoped3A = tpu.sem_alloc : memref<!tpu.dma_semaphore, #tpu.memory_space<semaphore_mem>>
      %dma_start3A = arith.constant 0 : i32
      %dma_start3A_25 = arith.constant 0 : i32
      %dma_start3A_26 = tpu.memref_slice %arg4[%add3A, %dma_start3A, %dma_start3A_25] : memref<32x125x80xi32, #tpu.memory_space<hbm>> -> memref<1x125x80xi32, #tpu.memory_space<hbm>>
      %dma_start3A_27 = tpu.memref_squeeze %dma_start3A_26 : memref<1x125x80xi32, #tpu.memory_space<hbm>> -> memref<125x80xi32, #tpu.memory_space<hbm>>
      %dma_start3A_28 = arith.constant 0 : i32
      %dma_start3A_29 = arith.constant 0 : i32
      %dma_start3A_30 = tpu.memref_slice %arg4[%add3A, %dma_start3A_28, %dma_start3A_29] : memref<32x125x80xi32, #tpu.memory_space<hbm>> -> memref<1x125x80xi32, #tpu.memory_space<hbm>>
      %dma_start3A_31 = tpu.memref_squeeze %dma_start3A_30 : memref<1x125x80xi32, #tpu.memory_space<hbm>> -> memref<125x80xi32, #tpu.memory_space<hbm>>
      tpu.enqueue_dma source(%dma_start3A_31 : memref<125x80xi32, #tpu.memory_space<hbm>>) target(%arg8 : memref<125x80xi32, #tpu.memory_space<vmem>>) target_semaphore(%run_scoped3A : memref<!tpu.dma_semaphore, #tpu.memory_space<semaphore_mem>>)
      %dma_wait3A = arith.constant 0 : i32
      %dma_wait3A_32 = arith.constant 0 : i32
      %dma_wait3A_33 = tpu.memref_slice %arg4[%add3A, %dma_wait3A, %dma_wait3A_32] : memref<32x125x80xi32, #tpu.memory_space<hbm>> -> memref<1x125x80xi32, #tpu.memory_space<hbm>>
      %dma_wait3A_34 = tpu.memref_squeeze %dma_wait3A_33 : memref<1x125x80xi32, #tpu.memory_space<hbm>> -> memref<125x80xi32, #tpu.memory_space<hbm>>
      %dma_wait3A_35 = arith.constant 0 : i32
      %dma_wait3A_36 = arith.constant 0 : i32
      %dma_wait3A_37 = tpu.memref_slice %arg4[%add3A, %dma_wait3A_35, %dma_wait3A_36] : memref<32x125x80xi32, #tpu.memory_space<hbm>> -> memref<1x125x80xi32, #tpu.memory_space<hbm>>
      %dma_wait3A_38 = tpu.memref_squeeze %dma_wait3A_37 : memref<1x125x80xi32, #tpu.memory_space<hbm>> -> memref<125x80xi32, #tpu.memory_space<hbm>>
      tpu.wait_dma2 semaphore(%run_scoped3A : memref<!tpu.dma_semaphore, #tpu.memory_space<semaphore_mem>>) src(%dma_wait3A_38 : memref<125x80xi32, #tpu.memory_space<hbm>>) dst(%arg8 : memref<125x80xi32, #tpu.memory_space<vmem>>)
      tpu.yield
    }) : () -> ()
    %barrier3A = arith.constant 0 : index
    tpu.barrier barrier_id(%barrier3A)
    %scan3A = arith.constant 0 : i32
    %scan3A_9 = arith.constant 0 : i32
    %scan3A_10 = arith.constant 125 : i32
    %scan3A_11 = arith.addi %scan3A_9, %scan3A_10 : i32
    %scan3A_12 = arith.constant 1 : i32
    scf.for %scan3A_25 = %scan3A_9 to %scan3A_11 step %scan3A_12  : i32 {
      %dma_start3A = arith.constant 0 : i32
      %dma_start3A_26 = tpu.memref_slice %arg7[%scan3A_25, %dma_start3A] : memref<125x80xi32, #tpu.memory_space<vmem>> -> memref<1x80xi32, #tpu.memory_space<vmem>>
      %dma_start3A_27 = tpu.memref_squeeze %dma_start3A_26 : memref<1x80xi32, #tpu.memory_space<vmem>> -> memref<80xi32, #tpu.memory_space<vmem>>
      %dma_start3A_28 = arith.constant 0 : i32
      %dma_start3A_29 = arith.constant 0 : i32
      %dma_start3A_30 = tpu.memref_slice %arg2[%dma_start3A_28, %dma_start3A_29] : memref<10000x128xf32, #tpu.memory_space<hbm>> -> memref<10000x128xf32, #tpu.memory_space<hbm>>
      tpu.enqueue_indirect_dma source(%dma_start3A_30 : memref<10000x128xf32, #tpu.memory_space<hbm>>) target(%arg9 : memref<80x128xf32, #tpu.memory_space<vmem>>) offsets(%dma_start3A_27 : memref<80xi32, #tpu.memory_space<vmem>>) semaphore(%arg11 : memref<!tpu.dma_semaphore, #tpu.memory_space<semaphore_mem>>)
      %dma_wait3A = arith.constant 0 : i32
      %dma_wait3A_31 = tpu.memref_slice %arg7[%scan3A_25, %dma_wait3A] : memref<125x80xi32, #tpu.memory_space<vmem>> -> memref<1x80xi32, #tpu.memory_space<vmem>>
      %dma_wait3A_32 = tpu.memref_squeeze %dma_wait3A_31 : memref<1x80xi32, #tpu.memory_space<vmem>> -> memref<80xi32, #tpu.memory_space<vmem>>
      %dma_wait3A_33 = arith.constant 0 : i32
      %dma_wait3A_34 = arith.constant 0 : i32
      %dma_wait3A_35 = tpu.memref_slice %arg2[%dma_wait3A_33, %dma_wait3A_34] : memref<10000x128xf32, #tpu.memory_space<hbm>> -> memref<10000x128xf32, #tpu.memory_space<hbm>>
      tpu.wait_indirect_dma semaphore(%arg11 : memref<!tpu.dma_semaphore, #tpu.memory_space<semaphore_mem>>) src(%dma_wait3A_35 : memref<10000x128xf32, #tpu.memory_space<hbm>>) dst(%arg9 : memref<80x128xf32, #tpu.memory_space<vmem>>)
      "tpu.region"() ({
        %run_scoped3A = tpu.sem_alloc : memref<!tpu.dma_semaphore, #tpu.memory_space<semaphore_mem>>
        %dma_start3A_36 = arith.constant 0 : i32
        %dma_start3A_37 = tpu.memref_slice %arg8[%scan3A_25, %dma_start3A_36] : memref<125x80xi32, #tpu.memory_space<vmem>> -> memref<1x80xi32, #tpu.memory_space<vmem>>
        %dma_start3A_38 = tpu.memref_squeeze %dma_start3A_37 : memref<1x80xi32, #tpu.memory_space<vmem>> -> memref<80xi32, #tpu.memory_space<vmem>>
        %dma_start3A_39 = arith.constant 0 : i32
        %dma_start3A_40 = arith.constant 0 : i32
        %dma_start3A_41 = tpu.memref_slice %arg10[%dma_start3A_39, %dma_start3A_40] : memref<10000x128xf32, #tpu.memory_space<vmem_shared>> -> memref<10000x128xf32, #tpu.memory_space<vmem_shared>>
        tpu.enqueue_indirect_dma source(%arg9 : memref<80x128xf32, #tpu.memory_space<vmem>>) target(%dma_start3A_41 : memref<10000x128xf32, #tpu.memory_space<vmem_shared>>) offsets(%dma_start3A_38 : memref<80xi32, #tpu.memory_space<vmem>>) semaphore(%run_scoped3A : memref<!tpu.dma_semaphore, #tpu.memory_space<semaphore_mem>>) {add = true}
        %dma_wait3A_42 = arith.constant 0 : i32
        %dma_wait3A_43 = tpu.memref_slice %arg8[%scan3A_25, %dma_wait3A_42] : memref<125x80xi32, #tpu.memory_space<vmem>> -> memref<1x80xi32, #tpu.memory_space<vmem>>
        %dma_wait3A_44 = tpu.memref_squeeze %dma_wait3A_43 : memref<1x80xi32, #tpu.memory_space<vmem>> -> memref<80xi32, #tpu.memory_space<vmem>>
        %dma_wait3A_45 = arith.constant 0 : i32
        %dma_wait3A_46 = arith.constant 0 : i32
        %dma_wait3A_47 = tpu.memref_slice %arg10[%dma_wait3A_45, %dma_wait3A_46] : memref<10000x128xf32, #tpu.memory_space<vmem_shared>> -> memref<10000x128xf32, #tpu.memory_space<vmem_shared>>
        tpu.wait_indirect_dma semaphore(%run_scoped3A : memref<!tpu.dma_semaphore, #tpu.memory_space<semaphore_mem>>) src(%arg9 : memref<80x128xf32, #tpu.memory_space<vmem>>) dst(%dma_wait3A_47 : memref<10000x128xf32, #tpu.memory_space<vmem_shared>>)
        tpu.yield
      }) : () -> ()
    }
    %scan3A_13 = arith.constant 125 : i32
    %barrier3A_14 = arith.constant 0 : index
    tpu.barrier barrier_id(%barrier3A_14)
    %lt3A_15 = arith.constant 15 : i32
    %lt3A_16 = arith.cmpi slt, %arg1, %lt3A_15 : i32
    %convert_element_type3A_17 = arith.extui %lt3A_16 : i1 to i32
    %cond3A_18 = arith.constant 0 : i32
    %cond3A_19 = arith.cmpi ne, %convert_element_type3A_17, %cond3A_18 : i32
    scf.if %cond3A_19 {
      "tpu.region"() ({
        %run_scoped3A = tpu.sem_alloc : memref<!tpu.dma_semaphore, #tpu.memory_space<semaphore_mem>>
        %dma_start3A = arith.constant 0 : i32
        %dma_start3A_25 = tpu.memref_slice %arg6[%arg0, %mul3A_2, %dma_start3A] : memref<2x10000x128xf32, #tpu.memory_space<hbm>> -> memref<1x624x128xf32, #tpu.memory_space<hbm>>
        %dma_start3A_26 = tpu.memref_squeeze %dma_start3A_25 : memref<1x624x128xf32, #tpu.memory_space<hbm>> -> memref<624x128xf32, #tpu.memory_space<hbm>>
        %dma_start3A_27 = arith.constant 0 : i32
        %dma_start3A_28 = tpu.memref_slice %arg10[%mul3A_2, %dma_start3A_27] : memref<10000x128xf32, #tpu.memory_space<vmem_shared>> -> memref<624x128xf32, #tpu.memory_space<vmem_shared>>
        tpu.enqueue_dma source(%dma_start3A_28 : memref<624x128xf32, #tpu.memory_space<vmem_shared>>) target(%dma_start3A_26 : memref<624x128xf32, #tpu.memory_space<hbm>>) target_semaphore(%run_scoped3A : memref<!tpu.dma_semaphore, #tpu.memory_space<semaphore_mem>>)
        %dma_wait3A = arith.constant 0 : i32
        %dma_wait3A_29 = tpu.memref_slice %arg6[%arg0, %mul3A_2, %dma_wait3A] : memref<2x10000x128xf32, #tpu.memory_space<hbm>> -> memref<1x624x128xf32, #tpu.memory_space<hbm>>
        %dma_wait3A_30 = tpu.memref_squeeze %dma_wait3A_29 : memref<1x624x128xf32, #tpu.memory_space<hbm>> -> memref<624x128xf32, #tpu.memory_space<hbm>>
        %dma_wait3A_31 = arith.constant 0 : i32
        %dma_wait3A_32 = tpu.memref_slice %arg10[%mul3A_2, %dma_wait3A_31] : memref<10000x128xf32, #tpu.memory_space<vmem_shared>> -> memref<624x128xf32, #tpu.memory_space<vmem_shared>>
        tpu.wait_dma2 semaphore(%run_scoped3A : memref<!tpu.dma_semaphore, #tpu.memory_space<semaphore_mem>>) src(%dma_wait3A_32 : memref<624x128xf32, #tpu.memory_space<vmem_shared>>) dst(%dma_wait3A_30 : memref<624x128xf32, #tpu.memory_space<hbm>>)
        tpu.yield
      }) : () -> ()
    } else {
    }
    %eq3A_20 = arith.constant 15 : i32
    %eq3A_21 = arith.cmpi eq, %arg1, %eq3A_20 : i32
    %convert_element_type3A_22 = arith.extui %eq3A_21 : i1 to i32
    %cond3A_23 = arith.constant 0 : i32
    %cond3A_24 = arith.cmpi ne, %convert_element_type3A_22, %cond3A_23 : i32
    scf.if %cond3A_24 {
      "tpu.region"() ({
        %run_scoped3A = tpu.sem_alloc : memref<!tpu.dma_semaphore, #tpu.memory_space<semaphore_mem>>
        %dma_start3A = arith.constant 9360 : i32
        %dma_start3A_25 = arith.constant 0 : i32
        %dma_start3A_26 = tpu.memref_slice %arg6[%arg0, %dma_start3A, %dma_start3A_25] : memref<2x10000x128xf32, #tpu.memory_space<hbm>> -> memref<1x640x128xf32, #tpu.memory_space<hbm>>
        %dma_start3A_27 = tpu.memref_squeeze %dma_start3A_26 : memref<1x640x128xf32, #tpu.memory_space<hbm>> -> memref<640x128xf32, #tpu.memory_space<hbm>>
        %dma_start3A_28 = arith.constant 9360 : i32
        %dma_start3A_29 = arith.constant 0 : i32
        %dma_start3A_30 = tpu.memref_slice %arg10[%dma_start3A_28, %dma_start3A_29] : memref<10000x128xf32, #tpu.memory_space<vmem_shared>> -> memref<640x128xf32, #tpu.memory_space<vmem_shared>>
        tpu.enqueue_dma source(%dma_start3A_30 : memref<640x128xf32, #tpu.memory_space<vmem_shared>>) target(%dma_start3A_27 : memref<640x128xf32, #tpu.memory_space<hbm>>) target_semaphore(%run_scoped3A : memref<!tpu.dma_semaphore, #tpu.memory_space<semaphore_mem>>)
        %dma_wait3A = arith.constant 9360 : i32
        %dma_wait3A_31 = arith.constant 0 : i32
        %dma_wait3A_32 = tpu.memref_slice %arg6[%arg0, %dma_wait3A, %dma_wait3A_31] : memref<2x10000x128xf32, #tpu.memory_space<hbm>> -> memref<1x640x128xf32, #tpu.memory_space<hbm>>
        %dma_wait3A_33 = tpu.memref_squeeze %dma_wait3A_32 : memref<1x640x128xf32, #tpu.memory_space<hbm>> -> memref<640x128xf32, #tpu.memory_space<hbm>>
        %dma_wait3A_34 = arith.constant 9360 : i32
        %dma_wait3A_35 = arith.constant 0 : i32
        %dma_wait3A_36 = tpu.memref_slice %arg10[%dma_wait3A_34, %dma_wait3A_35] : memref<10000x128xf32, #tpu.memory_space<vmem_shared>> -> memref<640x128xf32, #tpu.memory_space<vmem_shared>>
        tpu.wait_dma2 semaphore(%run_scoped3A : memref<!tpu.dma_semaphore, #tpu.memory_space<semaphore_mem>>) src(%dma_wait3A_36 : memref<640x128xf32, #tpu.memory_space<vmem_shared>>) dst(%dma_wait3A_33 : memref<640x128xf32, #tpu.memory_space<hbm>>)
        tpu.yield
      }) : () -> ()
    } else {
    }
    return
  }
}

</mosaic_0001>

<sc_bundles>
// kernel: _sc_partial_agg.3.cloned.1.call-start
scs
__scs_entry_jumppad:
0x0: {  	(pc) =	sbr.rel $0x88, $3  }
0x1: {  	(tag) =	ssettag $0x0;
	lr =	simm.s32 $0x1  }
0x2: {  	[smem:$0x3F9D] =	sst lr;
	_ =	strace $0xD0000000  }
0x3: {  	_ = 	snop  }
0x4: {  	_ = 	snop  }
0x5: {  	_ = 	snop  }
0x6: {  	_ = 	snop  }
0x7: {  	_ = 	snop  }
__scs_overlays_trampoline_lowered:
0x8: {  	[smem:$0x3FAC] =	sst s0  }
0x9: {  	[smem:$0x3FAD] =	sst s1  }
0xa: {  	[smem:$0x3FAE] =	sst s2  }
0xb: {  	[smem:$0x3FAF] =	sst s3  }
0xc: {  	[smem:$0x3FB0] =	sst s4  }
0xd: {  	[smem:$0x3FB1] =	sst s5  }
0xe: {  	[smem:$0x3FB2] =	sst s6  }
0xf: {  	[smem:$0x3FB3] =	sst s7  }
0x10: {  	[smem:$0x3FB4] =	sst s8  }
0x11: {  	[smem:$0x3FB5] =	sst s9;
	s0 =	simm.s32 @!p0 $0x0  }
0x12: {  	s1 =	sld [smem:$0x3F9B];
	s0 =	simm.s32 @p0 $0x1  }
0x13: {  	[smem:$0x3FB6] =	sst s0;
	s0 =	simm.s32 @!p1 $0x0  }
0x14: {  	s2 =	sld [smem:$0x3F9A];
	s0 =	simm.s32 @p1 $0x1  }
0x15: {  	[smem:$0x3FB7] =	sst s0;
	s0 =	simm.s32 @!p2 $0x0  }
0x16: {  	s3 =	sld [smem:$0x3FDB];
	s0 =	simm.s32 @p2 $0x1  }
0x17: {  	s4 =	simm.s32 $0x1BF5;
	[smem:$0x3FB9] =	sst s0  }
0x18: {  	s0 =	sld [smem:$0x3F9C];
	_ =	swait.ge [sflag:s4], $0x0  }
0x19: {  	s7 =	sld [smem:$0x3F9D]  }
0x1a: {  	s8 =	sadd.s32 $0xFFFFE003, lr  }
0x1b: {  	s9 =	sadd.s32 $0xFFFFFEF7, lr;
	s5 =	simm.s32 $0xFFFFFFFF;
	p2 =	slt.u32 s8, $0xFFFFF086  }
0x1c: {  	p1 =	slt.u32 s9, $0xF7A;
	s5 =	simm.s32 @!p2 $0x0  }
0x1d: {  	s5 =	simm.s32 @p1 $0x1;
	p0 =	seq.s32 s7, s2  }
0x1e: {  	s7 =	smul.u32 @!p0 $0xF7A, s2;
	p2 =	seq.s32 @!p0 s5, $0x0  }
0x1f: {  	s9 =	smul.u32 $0xF7A, s1;
	s8 =	simm.s32 @!p0 $0x1BF5;
	p2 =	por !p2, p0  }
0x20: {  	[sflag:s8] =	ssyncset.s32 @!p0 $0xFFFFF086;
	s6 =	sadd.s32 @!p0 s3, s7;
	s7 =	simm.s32 @!p0 $0x108  }
0x21: {  	s3 =	sadd.s32 s3, s9;
	s6 =	sadd.s32 @!p0 $0x88, s6;
	s7 =	simm.s32 @p2 $0x1082  }
0x22: {  	[simem:s7], [sflag:s8] =	dma.local @!p0 [hbm:s6], $0xF7A  }
0x23: {  	s9 =	sor.u32 $0xD0000000, s2;
	s6 =	simm.s32 $0x108;
	_ =	swait.ge @!p0 [sflag:s8], $0x0  }
0x24: {  	s3 =	sadd.s32 $0x88, s3;
	s6 =	simm.s32 @!p1 $0x1082;
	[sflag:s4] =	ssyncset.s32 $0xFFFFF086  }
0x25: {  	[simem:s6], [sflag:s4] =	dma.local [hbm:s3], $0xF7A  }
0x26: {  	[smem:$0x3F9D] =	sst s1;
	(tag) =	ssettag s2;
	_ =	strace s9  }
0x27: {  	s1 =	sld [smem:$0x3FAD]  }
0x28: {  	s2 =	sld [smem:$0x3FAE]  }
0x29: {  	s4 =	sld [smem:$0x3FB0]  }
0x2a: {  	p0 =	seq.s32 s5, $0x0;
	s5 =	sld [smem:$0x3FB1]  }
0x2b: {  	s6 =	sld [smem:$0x3FB2]  }
0x2c: {  	s7 =	sld [smem:$0x3FB3]  }
0x2d: {  	s3 =	simm.s32 $0x108;
	s8 =	sld [smem:$0x3FB4]  }
0x2e: {  	s3 =	simm.s32 @!p0 $0x1082;
	s9 =	sld [smem:$0x3FB5]  }
0x2f: {  	lr =	sadd.s32 s0, s3;
	s0 =	sld [smem:$0x3FAC]  }
0x30: {  	s3 =	sld [smem:$0x3FAF]  }
0x31: {  	[smem:$0x3FB8] =	sst s10  }
0x32: {  	s10 =	sld [smem:$0x3FB6];
	_ =	sdelay $0x3  }
0x33: {  	p0 =	seq.s32 s10, $0x1;
	s10 =	sld [smem:$0x3FB8];
	_ =	sdelay $0x3  }
0x34: {  	[smem:$0x3FB8] =	sst s10  }
0x35: {  	s10 =	sld [smem:$0x3FB7];
	_ =	sdelay $0x3  }
0x36: {  	p1 =	seq.s32 s10, $0x1;
	s10 =	sld [smem:$0x3FB8];
	_ =	sdelay $0x3  }
0x37: {  	[smem:$0x3FB8] =	sst s10  }
0x38: {  	s10 =	sld [smem:$0x3FB9]  }
0x39: {  	_ = 	snop;
	(pc) =	sbr.ind lr, $3  }
0x3a: {  	_ = 	snop  }
0x3b: {  	_ = 	snop  }
0x3c: {  	p2 =	seq.s32 s10, $0x1;
	s10 =	sld [smem:$0x3FB8]  }
0x3d: {  	_ =	shalt  }
0x3e: {  	_ =	shalt  }
0x3f: {  	_ =	shalt  }
0x40: {  	_ =	shalt  }
0x41: {  	_ =	shalt  }
0x42: {  	_ =	shalt  }
0x43: {  	_ =	shalt  }
0x44: {  	_ =	shalt  }
0x45: {  	_ =	shalt  }
0x46: {  	_ =	shalt  }
0x47: {  	_ =	shalt  }
0x48: {  	_ =	shalt  }
0x49: {  	_ =	shalt  }
0x4a: {  	_ =	shalt  }
0x4b: {  	_ =	shalt  }
0x4c: {  	_ =	shalt  }
0x4d: {  	_ =	shalt  }
0x4e: {  	_ =	shalt  }
0x4f: {  	_ =	shalt  }
0x50: {  	_ =	shalt  }
0x51: {  	_ =	shalt  }
0x52: {  	_ =	shalt  }
0x53: {  	_ =	shalt  }
0x54: {  	_ =	shalt  }
0x55: {  	_ =	shalt  }
0x56: {  	_ =	shalt  }
0x57: {  	_ =	shalt  }
0x58: {  	_ =	shalt  }
0x59: {  	_ =	shalt  }
0x5a: {  	_ =	shalt  }
0x5b: {  	_ =	shalt  }
0x5c: {  	_ =	shalt  }
0x5d: {  	_ =	shalt  }
0x5e: {  	_ =	shalt  }
0x5f: {  	_ =	shalt  }
0x60: {  	_ =	shalt  }
0x61: {  	_ =	shalt  }
0x62: {  	_ =	shalt  }
0x63: {  	_ =	shalt  }
0x64: {  	_ =	shalt  }
0x65: {  	_ =	shalt  }
0x66: {  	_ =	shalt  }
0x67: {  	_ =	shalt  }
0x68: {  	_ =	shalt  }
0x69: {  	_ =	shalt  }
0x6a: {  	_ =	shalt  }
0x6b: {  	_ =	shalt  }
0x6c: {  	_ =	shalt  }
0x6d: {  	_ =	shalt  }
0x6e: {  	_ =	shalt  }
0x6f: {  	_ =	shalt  }
0x70: {  	_ =	shalt  }
0x71: {  	_ =	shalt  }
0x72: {  	_ =	shalt  }
0x73: {  	_ =	shalt  }
0x74: {  	_ =	shalt  }
0x75: {  	_ =	shalt  }
0x76: {  	_ =	shalt  }
0x77: {  	_ =	shalt  }
0x78: {  	_ =	shalt  }
0x79: {  	_ =	shalt  }
0x7a: {  	_ =	shalt  }
0x7b: {  	_ =	shalt  }
0x7c: {  	_ =	shalt  }
0x7d: {  	_ =	shalt  }
0x7e: {  	_ =	shalt  }
0x7f: {  	_ =	shalt  }
0x80: {  	_ =	shalt  }
0x81: {  	_ =	shalt  }
0x82: {  	_ =	shalt  }
0x83: {  	_ =	shalt  }
0x84: {  	_ =	shalt  }
0x85: {  	_ =	shalt  }
0x86: {  	_ =	shalt  }
0x87: {  	_ =	shalt  }
.Lfunc_end0:
.L_simem_size_0:
called_computation_lowered:
.L_overlay_start_0:
0x88: {  	s2 =	sld [smem:$0x3FD9]  }
0x89: {  	s3 =	sld [smem:$0x3FFE];
	_ =	sdelay $0x1  }
0x8a: {  	s1 =	srdreg.scid  }
0x8b: {  	s0 =	sand.u32 $0x1, s1  }
0x8c: {  	s17 =	sshll.u32 s0, $0xA;
	s2 =	sadd.s32 s3, s2  }
0x8d: {  	s2 =	sadd.s32 s2, s17  }
0x8e: {  	[smem:$0x3FC4] =	sst s2  }
0x8f: {  	_ = 	snop  }
0x90: {  	s2 =	sld [smem:$0x3FC9]  }
0x91: {  	s18 =	sld [smem:$0x3FC6]  }
0x92: {  	s4 =	sld [smem:$0x3FD0];
	(tm) =	ssettm $0x1  }
0x93: {  	s5 =	sld [smem:$0x3FFB];
	_ =	sdelay $0x3  }
0x94: {  	_ =	strace s5  }
0x95: {  	s5 =	sld [smem:$0x3FFC];
	_ =	sdelay $0x3  }
0x96: {  	_ =	strace s5  }
0x97: {  	s5 =	sld [smem:$0x3FFD];
	_ =	sdelay $0x3  }
0x98: {  	_ =	strace s5  }
0x99: {  	_ =	strace $0x8FFFFFFF  }
0x9a: {  	s19 =	sld [smem:$0x3FDB];
	_ =	sdelay $0x1  }
0x9b: {  	s6 =	simm.s32 $_scs_section_size  }
0x9c: {  	s7 =	simm.s32 $_size__tile_overlayer_lowered;
	s8 =	simm.s32 $_tile_overlayer_lowered  }
0x9d: {  	s22 =	simm.s32 $0x1BFF;
	s21 =	sshll.u32 s8, $0x1;
	s5 =	sadd.s32 s6, s19  }
0x9e: {  	s9 =	simm.s32 $0x0;
	s20 =	sshll.u32 s7, $0x1;
	s7 =	sadd.s32 s21, s5  }
0x9f: {  	[timem:s9], [sflag:s22] =	dma.local [hbm:s7], s20  }
0xa0: {  	_ =	swait.ge [sflag:s22], s20  }
0xa1: {  	s6 =	ssub.s32 $0x0, s20;
	[sflag:s22] =	ssyncset.done $0x0  }
0xa2: {  	[sflag:s22] =	ssyncadd.s32 s6;
	_ =	sdelay $0x1  }
0xa3: {  	s23 =	simm.s32 $0x1B8B  }
0xa4: {  	_ =	swait.ge [sflag:s23], $0x1  }
0xa5: {  	[sflag:s23] =	ssyncset.done $0x0  }
0xa6: {  	s25 =	simm.s32 $0x1B8E;
	s24 =	sld [smem:$0x3FFE];
	[sflag:s23] =	ssyncadd.s32 $0xFFFFFFFF  }
0xa7: {  	s26 =	simm.s32 $execute0_lowered;
	[smem:$0x3FD2] =	sst s25  }
0xa8: {  	s7 =	sshll.u32 s26, $0x1;
	_ =	strace $0x80000046;
	[dreg:$0x1] =	wrdreg $0xFFFFFFFF  }
0xa9: {  	s28 =	simm.s32 $_size_execute0_lowered;
	s5 =	sadd.s32 s5, s7;
	[dreg:$0x0] =	wrdreg $0x0  }
0xaa: {  	s7 =	sshll.u32 s28, $0x1;
	[dreg:$0x2] =	wrdreg s5  }
0xab: {  	[dreg:$0x3] =	wrdreg s7  }
0xac: {  	[dreg:$0x4] =	wrdreg $0xC0  }
0xad: {  	_ =	task [dreg:s9], $0x5FFFF  }
0xae: {  	[dreg:$0x1] =	wrdreg $0xFFFFFFFF  }
0xaf: {  	[dreg:$0x0] =	wrdreg $0x60  }
0xb0: {  	[dreg:$0x2] =	wrdreg s2  }
0xb1: {  	[dreg:$0x3] =	wrdreg s24  }
0xb2: {  	[dreg:$0x4] =	wrdreg s18  }
0xb3: {  	[dreg:$0x5] =	wrdreg s4  }
0xb4: {  	[dreg:$0x6] =	wrdreg $0xA8000  }
0xb5: {  	[dreg:$0x7] =	wrdreg $0x9  }
0xb6: {  	_ =	task.clear_ibuf [dreg:s9], $0x8FFFF;
	_ =	strace $0x90000046  }
0xb7: {  	s29 =	simm.s32 $0x9;
	_ =	strace $0x80000048  }
0xb8: {  	_ =	swait.ge [sflag:s29], $0x1  }
0xb9: {  	[sflag:s29] =	ssyncadd.s32 $0xFFFFFFFF  }
0xba: {  	_ =	strace $0x90000048  }
0xbb: {  	_ =	sfence  }
0xbc: {  	s30 =	sld [smem:$0x0];
	_ =	sdelay $0x2  }
0xbd: {  	s31 =	sshll.u32 s1, $0xD;
	s1 =	sshrl.u32 s1, $0x2  }
0xbe: {  	s3 =	sand.u32 $0x4000, s31;
	s1 =	sadd.s32 s1, s30  }
0xbf: {  	s0 =	sor.u32 s3, s0;
	s1 =	sshll.u32 s1, $0x11  }
0xc0: {  	s0 =	sor.u32 s1, s0  }
0xc1: {  	s0 =	sadd.s32 $0x8F2B, s0  }
0xc2: {  	[sflag:s0] =	ssyncadd.remote.s32 $0x1  }
0xc3: {  	_ =	sfence.sel $0xFFFF  }
0xc4: {  	[dreg:$0x0] =	wrdreg $0xFFFFFFFF;
	(pc) =	sbr.abs _section_cstart, $3  }
0xc5: {  	[dreg:$0x1] =	wrdreg $0xFFFFFFFF  }
0xc6: {  	_ =	task.clear_ibuf [dreg:s9], $0x2FFFF;
	_ =	strace $0x9FFFFFFF  }
0xc7: {  	(tm) =	ssettm $0x7FFFFFFF  }
tec
execute0_lowered:
.L_overlay_start_1:
0x0: {  	(tag) =	ssettag $0x1  }
0x1: {  	s1 =	rddreg [dreg:$0x0]  }
0x2: {  	s5 =	rddreg [dreg:$0x1]  }
0x3: {  	s6 =	rddreg [dreg:$0x2]  }
0x4: {  	s10 =	rddreg [dreg:$0x3]  }
0x5: {  	s2 =	rddreg [dreg:$0x4]  }
0x6: {  	s0 =	rddreg [dreg:$0x5]  }
0x7: {  	s4 =	simm.s32 $0x0;
	s7 =	srdreg.scid;
	s3 =	stileid.u32  }
0x8: {  	s16 =	simm.s32 $0x4000;
	s17 =	simm.s32 $0x50;
	s18 =	simm.s32 $0x8000  }
0x9: {  	s19 =	simm.s32 $0x1;
	s20 =	simm.s32 $0x0;
	s11 =	smul.u32 $0x4E000, s3  }
0xa: {  	[smem:$0x7FF] =	sst s4;
	s7 =	sand.u32 $0x1, s7;
	s12 =	smul.u32 $0x2700, s3  }
0xb: {  	s9 =	sshll.u32 s3, $0xB;
	s30 =	smul.u32 $0x13800, s3;
	p0 =	seq.s32 s3, $0xF  }
0xc: {  	_ =	strace $0x80000047;
	s8 =	sshll.u32 s7, $0xF;
	s26 =	ssub.s32 $0x2, s7  }
0xd: {  	s13 =	smul.u32 $0x138800, s7;
	s8 =	sor.u32 s9, s8;
	s28 =	sshrl.u32 s26, $0x1  }
0xe: {  	s29 =	sshrl.u32 s11, $0x2;
	s8 =	sadd.s32 s8, s5;
	s14 =	ssub.s32 s26, s28  }
0xf: {  	s15 =	sadd.s32 s29, s2;
	s5 =	sadd.s32 s6, s12;
	s12 =	sadd.s32 $0x124800, s2  }
0x10: {  	s6 =	sadd.s32 $0x24900, s6;
	s9 =	sadd.s32 s30, s13;
	s31 =	sshrl.u32 s13, $0x3  }
0x11: {  	s13 =	sshll.u32 @!p0 s3, $0x6;
	s7 =	sadd.s32 $0x600, s8;
	s8 =	sadd.s32 $0x10600, s8  }
0x12: {  	s9 =	sshrl.u32 s9, $0x3;
	s11 =	smax.u32 s14, $0x1;
	s12 =	sshrl.u32 @p0 s12, $0x3  }
0x13: {  	s13 =	sor.u32 @!p0 $0x1C02, s13;
	s9 =	sadd.s32 s10, s9;
	s10 =	sadd.s32 s10, s31  }
0x14: {  	s14 =	sshrl.u32 @!p0 s15, $0x3;
	s15 =	simm.s32 $0x2;
	s10 =	sadd.s32 $0x24900, s10  }
.LBB2_1:
0x15: {  	s21 =	simm.s32 @p0 $0x1FC2  }
0x16: {  	[spmem:s12], [sflag:s21] =	dma.local @p0 [hbm:s6], $0x2800  }
0x17: {  	s21 =	simm.s32 @p0 $0x2  }
0x18: {  	_ =	swait.ge @p0 [sflag:s21], $0x2800  }
0x19: {  	[sflag:s21] =	ssyncset.done @p0 $0x0  }
0x1a: {  	[sflag:s21] =	ssyncadd.s32 @p0 $0xFFFFD800;
	s21 =	simm.s32 @!p0 $0x2  }
0x1b: {  	[spmem:s14], [sflag:s13] =	dma.local @!p0 [hbm:s5], $0x2700  }
0x1c: {  	_ =	swait.ge @!p0 [sflag:s21], $0x2700  }
0x1d: {  	[sflag:s21] =	ssyncset.done @!p0 $0x0  }
0x1e: {  	[sflag:s21] =	ssyncadd.s32 @!p0 $0xFFFFD900  }
0x1f: {  	[tilespmem:s4], [sflag:$0x2] =	stream.linear.gather [hbm4b:s7+s4], $0x3E80, $0x38;
	[tilespmem:$0x1E080] =	vst v63  }
0x20: {  	_ =	swait.ge [sflag:s15], $0x3E80  }
0x21: {  	[sflag:s15] =	ssyncset.done $0x0  }
0x22: {  	[sflag:s15] =	ssyncadd.s32 $0xFFFFC180  }
0x23: {  	[tilespmem:s16], [sflag:$0x2] =	stream.linear.gather [hbm4b:s8+s4], $0x3E80, $0x38;
	[tilespmem:$0x1E080] =	vst v63  }
0x24: {  	_ =	swait.ge [sflag:s15], $0x3E80  }
0x25: {  	[sflag:s15] =	ssyncset.done $0x0  }
0x26: {  	[sflag:s15] =	ssyncadd.s32 $0xFFFFC180  }
0x27: {  	s30 =	simm.s32 $0x0;
	[bflag:$0x0] =	sbarrier.arrive $0xFFFF  }
0x28: {  	[tilespmem:s18], [sflag:$0x1] =	stream.indirect.gather [hbm4b:s1+s17], $0x80, s30, s17, $0xb8;
	[tilespmem:$0x1E080] =	vst v63  }
0x29: {  	_ =	swait.ge [sflag:s19], $0x2800  }
0x2a: {  	[sflag:s19] =	ssyncset.done $0x0  }
0x2b: {  	s31 =	simm.s32 $0x4000;
	[sflag:s19] =	ssyncadd.s32 $0xFFFFD800  }
0x2c: {  	[spmem:s2] =	stream.indirect.scatter.add.f32 [tilespmem:s18], [sflag:$0x2], $0x80, s31, s17, $0xb8;
	[tilespmem:$0x1E080] =	vst v63  }
0x2d: {  	_ =	swait.ge [sflag:s15], $0x2800  }
0x2e: {  	s22 =	simm.s32 $0x400;
	s21 =	simm.s32 $0x200;
	[sflag:s15] =	ssyncset.done $0x0  }
.LBB2_2:
0x2f: {  	s23 =	sshra.s32 s21, $0x2  }
0x30: {  	[sflag:s15] =	ssyncadd.s32 $0xFFFFD800;
	s21 =	smov.u32 s22;
	s24 =	sadd.s32 $0x200, s22  }
0x31: {  	[tilespmem:s18], [sflag:$0x1] =	stream.indirect.gather [hbm4b:s1+s17], $0x80, s23, s17, $0xb8;
	[tilespmem:$0x1E080] =	vst v63  }
0x32: {  	p1 =	sne.s32 s22, $0xF800;
	_ =	swait.ge [sflag:s19], $0x2800  }
.Ltmp0:
0x33: {  	[sflag:s19] =	ssyncset.done $0x0;
	(pc) =	sbr.rel @p1 .LBB2_2-.Ltmp0, $4  }
0x34: {  	s22 =	sadd.s32 $0x4000, s23;
	[sflag:s19] =	ssyncadd.s32 $0xFFFFD800  }
0x35: {  	[spmem:s2] =	stream.indirect.scatter.add.f32 [tilespmem:s18], [sflag:$0x2], $0x80, s22, s17, $0xb8;
	[tilespmem:$0x1E080] =	vst v63  }
0x36: {  	_ =	swait.ge [sflag:s15], $0x2800  }
0x37: {  	s22 =	smov.u32 s24;
	[sflag:s15] =	ssyncset.done $0x0  }
0x38: {  	s21 =	sshra.s32 s21, $0x2;
	[sflag:s15] =	ssyncadd.s32 $0xFFFFD800  }
0x39: {  	[tilespmem:s18], [sflag:$0x1] =	stream.indirect.gather [hbm4b:s1+s17], $0x80, s21, s17, $0xb8;
	[tilespmem:$0x1E080] =	vst v63  }
0x3a: {  	_ =	swait.ge [sflag:s19], $0x2800  }
0x3b: {  	[sflag:s19] =	ssyncset.done $0x0  }
0x3c: {  	s21 =	sadd.s32 $0x4000, s21;
	[sflag:s19] =	ssyncadd.s32 $0xFFFFD800  }
0x3d: {  	[spmem:s2] =	stream.indirect.scatter.add.f32 [tilespmem:s18], [sflag:$0x2], $0x80, s21, s17, $0xb8;
	[tilespmem:$0x1E080] =	vst v63  }
0x3e: {  	_ =	swait.ge [sflag:s15], $0x2800  }
0x3f: {  	[sflag:s15] =	ssyncset.done $0x0  }
0x40: {  	[sflag:s15] =	ssyncadd.s32 $0xFFFFD800  }
0x41: {  	s21 =	simm.s32 @p0 $0x1FC2;
	[bflag:$0x0] =	sbarrier.arrive $0xFFFF  }
0x42: {  	[hbm:s10], [sflag:s21] =	dma.local @p0 [spmem:s12], $0x2800  }
0x43: {  	s21 =	simm.s32 @p0 $0x2  }
0x44: {  	s20 =	sadd.s32 $0x1, s20;
	_ =	swait.ge @p0 [sflag:s21], $0x2800  }
0x45: {  	p1 =	sne.s32 s20, s11;
	[sflag:s21] =	ssyncset.done @p0 $0x0  }
.Ltmp1:
0x46: {  	[sflag:s21] =	ssyncadd.s32 @p0 $0xFFFFD800;
	s21 =	simm.s32 @!p0 $0x2;
	(pc) =	sbr.rel @p1 .LBB2_1-.Ltmp1, $4  }
0x47: {  	[hbm:s9], [sflag:s13] =	dma.local @!p0 [spmem:s14], $0x2700  }
0x48: {  	_ =	swait.ge @!p0 [sflag:s21], $0x2700  }
0x49: {  	[sflag:s21] =	ssyncset.done @!p0 $0x0  }
0x4a: {  	[sflag:s21] =	ssyncadd.s32 @!p0 $0xFFFFD900  }
0x4b: {  	_ =	sfence.sel $0x180000  }
0x4c: {  	[bflag:$0x0] =	sbarrier.arrive $0xFFFF  }
0x4d: {  	p0 =	sne.s32 s3, $0x0;
	_ =	strace $0x90000047  }
0x4e: {  	s0 =	sadd.s32 @!p0 $0x100000, s0;
	[bflag:$0x2] =	sbarrier.arrive $0xFFFF  }
0x4f: {  	[sflag:s0] =	ssyncadd.tile.s32 @!p0 $0x1;
	_ =	shalt  }
.Lfunc_end2:
_tile_overlayer_lowered:
.L_overlay_start_2:
0x50: {  	(tag) =	ssettag $0x2  }
0x51: {  	s0 =	rddreg [dreg:$0x0];
	s2 =	stileid.u32  }
0x52: {  	s1 =	rddreg [dreg:$0x1];
	p0 =	sne.s32 s2, $0x0  }
0x53: {  	s3 =	rddreg [dreg:$0x2];
	[bflag:$0x3] =	sbarrier.arrive $0xFFFF;
	s2 =	simm.s32 @!p0 $0x1C02  }
0x54: {  	[timem:s3], [sflag:s2] =	dma.local @!p0 [hbm:s0], s1  }
0x55: {  	s0 =	simm.s32 @!p0 $0x2  }
0x56: {  	_ =	swait.ge @!p0 [sflag:s0], s1  }
0x57: {  	s1 =	ssub.s32 @!p0 $0x0, s1;
	[sflag:s0] =	ssyncset.done @!p0 $0x0  }
0x58: {  	[sflag:s0] =	ssyncadd.s32 @!p0 s1  }
0x59: {  	[bflag:$0x3] =	sbarrier.arrive $0xFFFF  }
0x5a: {  	_ =	shalt  }

</sc_bundles>
